<compile_context>
chip_gen: v7x
topology: tpu7x:2x2x1
jax: 0.10.2.dev20260603
libtpu: 0.0.44.dev20260713+nightly
codegen_flags: <defaults>
</compile_context>

<pallas_src>
import functools

import jax
import jax.numpy as jnp
from jax import lax
from jax.experimental import pallas as pl
from jax.experimental.pallas import tpu as pltpu
from jax.experimental.pallas import tpu_sc as plsc

NBUF = 2
CB = 2
LANES = 16


def kernel(inputs, lookup_table):
    B, T, D = inputs.shape
    F = T * D
    scale = float(D) ** 0.5
    x = inputs.reshape(B, F)
    tab = lookup_table.reshape(F)

    info = plsc.get_sparse_core_info()
    NC, NS = info.num_cores, info.num_subcores
    NW = NC * NS
    per_w = B // NW
    n_chunks = per_w // CB

    mesh = plsc.VectorSubcoreMesh(core_axis_name="c", subcore_axis_name="s")

    @functools.partial(
        pl.kernel,
        mesh=mesh,
        out_type=jax.ShapeDtypeStruct((B, F), jnp.float32),
        scratch_types=[
            pltpu.VMEM((F,), jnp.float32),
            pltpu.VMEM((NBUF, CB, F), jnp.float32),
            pltpu.VMEM((NBUF, CB, F), jnp.float32),
            pltpu.SemaphoreType.DMA((NBUF,)),
            pltpu.SemaphoreType.DMA((NBUF,)),
            pltpu.SemaphoreType.DMA,
        ],
    )
    def run(x_hbm, tab_hbm, out_hbm, tabbuf, ring, oring, insem, outsem, tsem):
        wid = lax.axis_index("s") * NC + lax.axis_index("c")
        base = wid * per_w

        tc = pltpu.make_async_copy(tab_hbm, tabbuf, tsem)
        tc.start()
        tc.wait()

        @plsc.parallel_loop(0, F, step=LANES, unroll=8)
        def scale_loop(v):
            sl = pl.ds(v, LANES)
            tabbuf[sl] = tabbuf[sl] * scale

        def in_copy(j, slot):
            return pltpu.make_async_copy(
                x_hbm.at[pl.ds(base + j * CB, CB), :], ring.at[slot],
                insem.at[slot],
            )

        def out_copy(j, slot):
            return pltpu.make_async_copy(
                oring.at[slot], out_hbm.at[pl.ds(base + j * CB, CB), :],
                outsem.at[slot],
            )

        for k in range(NBUF):
            in_copy(k, k).start()

        def body(j, carry):
            slot = lax.rem(j, NBUF)
            in_copy(j, slot).wait()

            @pl.when(j >= NBUF)
            def _():
                out_copy(j - NBUF, slot).wait()

            for r in range(CB):
                buf = ring.at[slot, r]
                obuf = oring.at[slot, r]

                @plsc.parallel_loop(0, F, step=LANES, unroll=8)
                def add_loop(v):
                    sl = pl.ds(v, LANES)
                    obuf[sl] = buf[sl] + tabbuf[sl]

            out_copy(j, slot).start()

            @pl.when(j + NBUF < n_chunks)
            def _():
                in_copy(j + NBUF, slot).start()

            return carry

        lax.fori_loop(0, n_chunks, body, 0)

        for k in range(NBUF):
            j = n_chunks - NBUF + k
            out_copy(j, j % NBUF).wait()

    out = run(x, tab)
    return out.reshape(B, T, D)

# --- scband reference (transcript-rebuilt; emitter-appended) ---
"""Pipeline reference for scband-position-encoding-8933531976033 (READ-ONLY COPY).

The authoritative reference and input builder live on the scoring server;
editing this copy changes nothing except your own understanding.
"""

import jax, jax.numpy as jnp
import numpy as np

B, T, D = 4096, 200, 64

def _sinusoidal_table(T, D):
    position_enc = np.array([[pos / np.power(10000, 2.0 * (i // 2) / D) for i in range(D)] for pos in range(T)])
    position_enc[:, 0::2] = np.sin(position_enc[:, 0::2])
    position_enc[:, 1::2] = np.cos(position_enc[:, 1::2])
    return jnp.asarray(position_enc, dtype=jnp.float32)

def setup_inputs(seed: int = 0) -> dict:
    key = jax.random.key(seed)
    k1, _ = jax.random.split(key)
    inputs = jax.random.normal(k1, (B, T, D), dtype=jnp.float32)
    lookup_table = _sinusoidal_table(T, D)
    return {"inputs": inputs, "lookup_table": lookup_table}

def reference(inputs, lookup_table):
    T_ = inputs.shape[1]
    D_ = inputs.shape[2]
    position_ind = jnp.arange(T_)[None, :]  # [1, T]
    outputs = jnp.take(lookup_table, position_ind, axis=0)  # [1, T, D] embedding lookup
    outputs = outputs * (D_ ** 0.5)  # scale=True
    return outputs + inputs

if __name__ == "__main__":
    import jax
    _d = setup_inputs()
    print(jax.jit(kernel)(*tuple(_d.values())))

</pallas_src>

<mosaic_0001>
#map = affine_map<(d0, d1) -> (0, 0)>
#map1 = affine_map<(d0, d1) -> (0)>
module attributes {stable_mosaic.version = 14 : i64} {
  func.func @run(%arg0: i32, %arg1: i32, %arg2: memref<4096x12800xf32, #tpu.memory_space<hbm>>, %arg3: memref<12800xf32, #tpu.memory_space<hbm>>, %arg4: memref<4096x12800xf32, #tpu.memory_space<hbm>>, %arg5: memref<12800xf32, #tpu.memory_space<vmem>>, %arg6: memref<2x2x12800xf32, #tpu.memory_space<vmem>>, %arg7: memref<2x2x12800xf32, #tpu.memory_space<vmem>>, %arg8: memref<2x!tpu.dma_semaphore, #tpu.memory_space<semaphore_mem>>, %arg9: memref<2x!tpu.dma_semaphore, #tpu.memory_space<semaphore_mem>>, %arg10: memref<!tpu.dma_semaphore, #tpu.memory_space<semaphore_mem>>) attributes {dimension_semantics = [#tpu.dimension_semantics<core_parallel>, #tpu.dimension_semantics<subcore_parallel>], iteration_bounds = array<i64: 2, 16>, scalar_prefetch = 0 : i64, scratch_operands = 6 : i64, tpu.core_type = #tpu.core_type<sc_vector_subcore>, window_params = [{transform_indices = #map}, {transform_indices = #map1}, {transform_indices = #map}]} {
    %mul3A = arith.constant 2 : i32
    %mul3A_0 = arith.muli %arg1, %mul3A : i32
    %add3A = arith.addi %mul3A_0, %arg0 : i32
    %mul3A_1 = arith.constant 128 : i32
    %mul3A_2 = arith.muli %add3A, %mul3A_1 : i32
    tpu.enqueue_dma source(%arg3 : memref<12800xf32, #tpu.memory_space<hbm>>) target(%arg5 : memref<12800xf32, #tpu.memory_space<vmem>>) target_semaphore(%arg10 : memref<!tpu.dma_semaphore, #tpu.memory_space<semaphore_mem>>)
    tpu.wait_dma2 semaphore(%arg10 : memref<!tpu.dma_semaphore, #tpu.memory_space<semaphore_mem>>) src(%arg3 : memref<12800xf32, #tpu.memory_space<hbm>>) dst(%arg5 : memref<12800xf32, #tpu.memory_space<vmem>>)
    %parallel_loop3A = arith.constant 0 : i32
    %parallel_loop3A_3 = arith.constant 12800 : i32
    %parallel_loop3A_4 = arith.constant 16 : i32
    scf.for %parallel_loop3A_80 = %parallel_loop3A to %parallel_loop3A_3 step %parallel_loop3A_4  : i32 {
      %parallel_loop3A_81 = arith.index_cast %parallel_loop3A_80 : i32 to index
      %parallel_loop3A_82 = tpu.vector_load %arg5[%parallel_loop3A_81] {strides = array<i32>} : memref<12800xf32, #tpu.memory_space<vmem>>, vector<16xf32>,
      %parallel_loop3A_83 = vector.shape_cast %parallel_loop3A_82 : vector<16xf32> to vector<16xf32>
      %parallel_loop3A_84 = arith.constant 8.000000e+00 : f32
      %parallel_loop3A_85 = vector.broadcast %parallel_loop3A_84 : f32 to vector<16xf32>
      %parallel_loop3A_86 = arith.mulf %parallel_loop3A_83, %parallel_loop3A_85 : vector<16xf32>
      %parallel_loop3A_87 = arith.index_cast %parallel_loop3A_80 : i32 to index
      %parallel_loop3A_88 = tpu.vector_load %arg5[%parallel_loop3A_87] {strides = array<i32>} : memref<12800xf32, #tpu.memory_space<vmem>>, vector<16xf32>,
      %parallel_loop3A_89 = vector.shape_cast %parallel_loop3A_88 : vector<16xf32> to vector<16xf32>
      %parallel_loop3A_90 = vector.shape_cast %parallel_loop3A_86 : vector<16xf32> to vector<16xf32>
      tpu.vector_store %arg5[%parallel_loop3A_87], %parallel_loop3A_90 {strides = array<i32>} : memref<12800xf32, #tpu.memory_space<vmem>>, vector<16xf32>,
    } {sc.loop_unroll_factor = 8 : i64, sc.parallel_access}
    %add3A_5 = arith.constant 0 : i32
    %add3A_6 = arith.addi %mul3A_2, %add3A_5 : i32
    %dma_start3A = arith.constant 0 : i32
    %dma_start3A_7 = arith.constant 0 : i32
    %dma_start3A_8 = arith.constant 0 : i32
    %dma_start3A_9 = arith.constant 0 : i32
    %dma_start3A_10 = tpu.memref_slice %arg6[%dma_start3A, %dma_start3A_8, %dma_start3A_9] : memref<2x2x12800xf32, #tpu.memory_space<vmem>> -> memref<1x2x12800xf32, #tpu.memory_space<vmem>>
    %dma_start3A_11 = tpu.memref_squeeze %dma_start3A_10 : memref<1x2x12800xf32, #tpu.memory_space<vmem>> -> memref<2x12800xf32, #tpu.memory_space<vmem>>
    %dma_start3A_12 = arith.constant 0 : i32
    %dma_start3A_13 = tpu.memref_slice %arg2[%add3A_6, %dma_start3A_12] : memref<4096x12800xf32, #tpu.memory_space<hbm>> -> memref<2x12800xf32, #tpu.memory_space<hbm>>
    %dma_start3A_14 = tpu.memref_slice %arg8[%dma_start3A_7] : memref<2x!tpu.dma_semaphore, #tpu.memory_space<semaphore_mem>> -> memref<1x!tpu.dma_semaphore, #tpu.memory_space<semaphore_mem>>
    %dma_start3A_15 = tpu.memref_squeeze %dma_start3A_14 : memref<1x!tpu.dma_semaphore, #tpu.memory_space<semaphore_mem>> -> memref<!tpu.dma_semaphore, #tpu.memory_space<semaphore_mem>>
    %dma_start3A_16 = arith.constant 0 : i32
    %dma_start3A_17 = arith.constant 0 : i32
    %dma_start3A_18 = tpu.memref_slice %arg6[%dma_start3A, %dma_start3A_16, %dma_start3A_17] : memref<2x2x12800xf32, #tpu.memory_space<vmem>> -> memref<1x2x12800xf32, #tpu.memory_space<vmem>>
    %dma_start3A_19 = tpu.memref_squeeze %dma_start3A_18 : memref<1x2x12800xf32, #tpu.memory_space<vmem>> -> memref<2x12800xf32, #tpu.memory_space<vmem>>
    %dma_start3A_20 = arith.constant 0 : i32
    %dma_start3A_21 = tpu.memref_slice %arg2[%add3A_6, %dma_start3A_20] : memref<4096x12800xf32, #tpu.memory_space<hbm>> -> memref<2x12800xf32, #tpu.memory_space<hbm>>
    tpu.enqueue_dma source(%dma_start3A_21 : memref<2x12800xf32, #tpu.memory_space<hbm>>) target(%dma_start3A_19 : memref<2x12800xf32, #tpu.memory_space<vmem>>) target_semaphore(%dma_start3A_15 : memref<!tpu.dma_semaphore, #tpu.memory_space<semaphore_mem>>)
    %add3A_22 = arith.constant 2 : i32
    %add3A_23 = arith.addi %mul3A_2, %add3A_22 : i32
    %dma_start3A_24 = arith.constant 1 : i32
    %dma_start3A_25 = arith.constant 1 : i32
    %dma_start3A_26 = arith.constant 0 : i32
    %dma_start3A_27 = arith.constant 0 : i32
    %dma_start3A_28 = tpu.memref_slice %arg6[%dma_start3A_24, %dma_start3A_26, %dma_start3A_27] : memref<2x2x12800xf32, #tpu.memory_space<vmem>> -> memref<1x2x12800xf32, #tpu.memory_space<vmem>>
    %dma_start3A_29 = tpu.memref_squeeze %dma_start3A_28 : memref<1x2x12800xf32, #tpu.memory_space<vmem>> -> memref<2x12800xf32, #tpu.memory_space<vmem>>
    %dma_start3A_30 = arith.constant 0 : i32
    %dma_start3A_31 = tpu.memref_slice %arg2[%add3A_23, %dma_start3A_30] : memref<4096x12800xf32, #tpu.memory_space<hbm>> -> memref<2x12800xf32, #tpu.memory_space<hbm>>
    %dma_start3A_32 = tpu.memref_slice %arg8[%dma_start3A_25] : memref<2x!tpu.dma_semaphore, #tpu.memory_space<semaphore_mem>> -> memref<1x!tpu.dma_semaphore, #tpu.memory_space<semaphore_mem>>
    %dma_start3A_33 = tpu.memref_squeeze %dma_start3A_32 : memref<1x!tpu.dma_semaphore, #tpu.memory_space<semaphore_mem>> -> memref<!tpu.dma_semaphore, #tpu.memory_space<semaphore_mem>>
    %dma_start3A_34 = arith.constant 0 : i32
    %dma_start3A_35 = arith.constant 0 : i32
    %dma_start3A_36 = tpu.memref_slice %arg6[%dma_start3A_24, %dma_start3A_34, %dma_start3A_35] : memref<2x2x12800xf32, #tpu.memory_space<vmem>> -> memref<1x2x12800xf32, #tpu.memory_space<vmem>>
    %dma_start3A_37 = tpu.memref_squeeze %dma_start3A_36 : memref<1x2x12800xf32, #tpu.memory_space<vmem>> -> memref<2x12800xf32, #tpu.memory_space<vmem>>
    %dma_start3A_38 = arith.constant 0 : i32
    %dma_start3A_39 = tpu.memref_slice %arg2[%add3A_23, %dma_start3A_38] : memref<4096x12800xf32, #tpu.memory_space<hbm>> -> memref<2x12800xf32, #tpu.memory_space<hbm>>
    tpu.enqueue_dma source(%dma_start3A_39 : memref<2x12800xf32, #tpu.memory_space<hbm>>) target(%dma_start3A_37 : memref<2x12800xf32, #tpu.memory_space<vmem>>) target_semaphore(%dma_start3A_33 : memref<!tpu.dma_semaphore, #tpu.memory_space<semaphore_mem>>)
    %scan3A = arith.constant 0 : i32
    %scan3A_40 = arith.constant 0 : i32
    %scan3A_41 = arith.constant 64 : i32
    %scan3A_42 = arith.addi %scan3A_40, %scan3A_41 : i32
    %scan3A_43 = arith.constant 1 : i32
    scf.for %scan3A_80 = %scan3A_40 to %scan3A_42 step %scan3A_43  : i32 {
      %rem3A = arith.constant 2 : i32
      %rem3A_81 = arith.remsi %scan3A_80, %rem3A : i32
      %mul3A_82 = arith.constant 2 : i32
      %mul3A_83 = arith.muli %scan3A_80, %mul3A_82 : i32
      %add3A_84 = arith.addi %mul3A_2, %mul3A_83 : i32
      %dma_wait3A_85 = arith.constant 0 : i32
      %dma_wait3A_86 = arith.constant 0 : i32
      %dma_wait3A_87 = tpu.memref_slice %arg6[%rem3A_81, %dma_wait3A_85, %dma_wait3A_86] : memref<2x2x12800xf32, #tpu.memory_space<vmem>> -> memref<1x2x12800xf32, #tpu.memory_space<vmem>>
      %dma_wait3A_88 = tpu.memref_squeeze %dma_wait3A_87 : memref<1x2x12800xf32, #tpu.memory_space<vmem>> -> memref<2x12800xf32, #tpu.memory_space<vmem>>
      %dma_wait3A_89 = arith.constant 0 : i32
      %dma_wait3A_90 = tpu.memref_slice %arg2[%add3A_84, %dma_wait3A_89] : memref<4096x12800xf32, #tpu.memory_space<hbm>> -> memref<2x12800xf32, #tpu.memory_space<hbm>>
      %dma_wait3A_91 = tpu.memref_slice %arg8[%rem3A_81] : memref<2x!tpu.dma_semaphore, #tpu.memory_space<semaphore_mem>> -> memref<1x!tpu.dma_semaphore, #tpu.memory_space<semaphore_mem>>
      %dma_wait3A_92 = tpu.memref_squeeze %dma_wait3A_91 : memref<1x!tpu.dma_semaphore, #tpu.memory_space<semaphore_mem>> -> memref<!tpu.dma_semaphore, #tpu.memory_space<semaphore_mem>>
      %dma_wait3A_93 = arith.constant 0 : i32
      %dma_wait3A_94 = arith.constant 0 : i32
      %dma_wait3A_95 = tpu.memref_slice %arg6[%rem3A_81, %dma_wait3A_93, %dma_wait3A_94] : memref<2x2x12800xf32, #tpu.memory_space<vmem>> -> memref<1x2x12800xf32, #tpu.memory_space<vmem>>
      %dma_wait3A_96 = tpu.memref_squeeze %dma_wait3A_95 : memref<1x2x12800xf32, #tpu.memory_space<vmem>> -> memref<2x12800xf32, #tpu.memory_space<vmem>>
      %dma_wait3A_97 = arith.constant 0 : i32
      %dma_wait3A_98 = tpu.memref_slice %arg2[%add3A_84, %dma_wait3A_97] : memref<4096x12800xf32, #tpu.memory_space<hbm>> -> memref<2x12800xf32, #tpu.memory_space<hbm>>
      tpu.wait_dma2 semaphore(%dma_wait3A_92 : memref<!tpu.dma_semaphore, #tpu.memory_space<semaphore_mem>>) src(%dma_wait3A_98 : memref<2x12800xf32, #tpu.memory_space<hbm>>) dst(%dma_wait3A_96 : memref<2x12800xf32, #tpu.memory_space<vmem>>)
      %ge3A = arith.constant 2 : i32
      %ge3A_99 = arith.cmpi sge, %scan3A_80, %ge3A : i32
      %convert_element_type3A = arith.extui %ge3A_99 : i1 to i32
      %cond3A = arith.constant 0 : i32
      %cond3A_100 = arith.cmpi ne, %convert_element_type3A, %cond3A : i32
      scf.if %cond3A_100 {
        %sub3A = arith.constant 2 : i32
        %sub3A_134 = arith.subi %scan3A_80, %sub3A : i32
        %mul3A_135 = arith.constant 2 : i32
        %mul3A_136 = arith.muli %sub3A_134, %mul3A_135 : i32
        %add3A_137 = arith.addi %mul3A_2, %mul3A_136 : i32
        %dma_wait3A_138 = arith.constant 0 : i32
        %dma_wait3A_139 = arith.constant 0 : i32
        %dma_wait3A_140 = tpu.memref_slice %arg7[%rem3A_81, %dma_wait3A_138, %dma_wait3A_139] : memref<2x2x12800xf32, #tpu.memory_space<vmem>> -> memref<1x2x12800xf32, #tpu.memory_space<vmem>>
        %dma_wait3A_141 = tpu.memref_squeeze %dma_wait3A_140 : memref<1x2x12800xf32, #tpu.memory_space<vmem>> -> memref<2x12800xf32, #tpu.memory_space<vmem>>
        %dma_wait3A_142 = arith.constant 0 : i32
        %dma_wait3A_143 = tpu.memref_slice %arg4[%add3A_137, %dma_wait3A_142] : memref<4096x12800xf32, #tpu.memory_space<hbm>> -> memref<2x12800xf32, #tpu.memory_space<hbm>>
        %dma_wait3A_144 = tpu.memref_slice %arg9[%rem3A_81] : memref<2x!tpu.dma_semaphore, #tpu.memory_space<semaphore_mem>> -> memref<1x!tpu.dma_semaphore, #tpu.memory_space<semaphore_mem>>
        %dma_wait3A_145 = tpu.memref_squeeze %dma_wait3A_144 : memref<1x!tpu.dma_semaphore, #tpu.memory_space<semaphore_mem>> -> memref<!tpu.dma_semaphore, #tpu.memory_space<semaphore_mem>>
        %dma_wait3A_146 = arith.constant 0 : i32
        %dma_wait3A_147 = tpu.memref_slice %arg4[%add3A_137, %dma_wait3A_146] : memref<4096x12800xf32, #tpu.memory_space<hbm>> -> memref<2x12800xf32, #tpu.memory_space<hbm>>
        %dma_wait3A_148 = arith.constant 0 : i32
        %dma_wait3A_149 = arith.constant 0 : i32
        %dma_wait3A_150 = tpu.memref_slice %arg7[%rem3A_81, %dma_wait3A_148, %dma_wait3A_149] : memref<2x2x12800xf32, #tpu.memory_space<vmem>> -> memref<1x2x12800xf32, #tpu.memory_space<vmem>>
        %dma_wait3A_151 = tpu.memref_squeeze %dma_wait3A_150 : memref<1x2x12800xf32, #tpu.memory_space<vmem>> -> memref<2x12800xf32, #tpu.memory_space<vmem>>
        tpu.wait_dma2 semaphore(%dma_wait3A_145 : memref<!tpu.dma_semaphore, #tpu.memory_space<semaphore_mem>>) src(%dma_wait3A_151 : memref<2x12800xf32, #tpu.memory_space<vmem>>) dst(%dma_wait3A_147 : memref<2x12800xf32, #tpu.memory_space<hbm>>)
      } else {
      }
      %parallel_loop3A_101 = arith.constant 0 : i32
      %parallel_loop3A_102 = arith.constant 12800 : i32
      %parallel_loop3A_103 = arith.constant 16 : i32
      %parallel_loop3A_104 = arith.constant 0 : i32
      %parallel_loop3A_105 = arith.constant 0 : i32
      scf.for %parallel_loop3A_134 = %parallel_loop3A_101 to %parallel_loop3A_102 step %parallel_loop3A_103  : i32 {
        %parallel_loop3A_135 = arith.constant 0 : i32
        %parallel_loop3A_136 = tpu.memref_slice %arg6[%rem3A_81, %parallel_loop3A_104, %parallel_loop3A_135] : memref<2x2x12800xf32, #tpu.memory_space<vmem>> -> memref<1x1x12800xf32, #tpu.memory_space<vmem>>
        %parallel_loop3A_137 = tpu.memref_squeeze %parallel_loop3A_136 : memref<1x1x12800xf32, #tpu.memory_space<vmem>> -> memref<12800xf32, #tpu.memory_space<vmem>>
        %parallel_loop3A_138 = arith.index_cast %parallel_loop3A_134 : i32 to index
        %parallel_loop3A_139 = tpu.vector_load %parallel_loop3A_137[%parallel_loop3A_138] {strides = array<i32>} : memref<12800xf32, #tpu.memory_space<vmem>>, vector<16xf32>,
        %parallel_loop3A_140 = vector.shape_cast %parallel_loop3A_139 : vector<16xf32> to vector<16xf32>
        %parallel_loop3A_141 = arith.index_cast %parallel_loop3A_134 : i32 to index
        %parallel_loop3A_142 = tpu.vector_load %arg5[%parallel_loop3A_141] {strides = array<i32>} : memref<12800xf32, #tpu.memory_space<vmem>>, vector<16xf32>,
        %parallel_loop3A_143 = vector.shape_cast %parallel_loop3A_142 : vector<16xf32> to vector<16xf32>
        %parallel_loop3A_144 = arith.addf %parallel_loop3A_140, %parallel_loop3A_143 : vector<16xf32>
        %parallel_loop3A_145 = arith.constant 0 : i32
        %parallel_loop3A_146 = tpu.memref_slice %arg7[%rem3A_81, %parallel_loop3A_105, %parallel_loop3A_145] : memref<2x2x12800xf32, #tpu.memory_space<vmem>> -> memref<1x1x12800xf32, #tpu.memory_space<vmem>>
        %parallel_loop3A_147 = tpu.memref_squeeze %parallel_loop3A_146 : memref<1x1x12800xf32, #tpu.memory_space<vmem>> -> memref<12800xf32, #tpu.memory_space<vmem>>
        %parallel_loop3A_148 = arith.index_cast %parallel_loop3A_134 : i32 to index
        %parallel_loop3A_149 = tpu.vector_load %parallel_loop3A_147[%parallel_loop3A_148] {strides = array<i32>} : memref<12800xf32, #tpu.memory_space<vmem>>, vector<16xf32>,
        %parallel_loop3A_150 = vector.shape_cast %parallel_loop3A_149 : vector<16xf32> to vector<16xf32>
        %parallel_loop3A_151 = vector.shape_cast %parallel_loop3A_144 : vector<16xf32> to vector<16xf32>
        tpu.vector_store %parallel_loop3A_147[%parallel_loop3A_148], %parallel_loop3A_151 {strides = array<i32>} : memref<12800xf32, #tpu.memory_space<vmem>>, vector<16xf32>,
      } {sc.loop_unroll_factor = 8 : i64, sc.parallel_access}
      %parallel_loop3A_106 = arith.constant 0 : i32
      %parallel_loop3A_107 = arith.constant 12800 : i32
      %parallel_loop3A_108 = arith.constant 16 : i32
      %parallel_loop3A_109 = arith.constant 1 : i32
      %parallel_loop3A_110 = arith.constant 1 : i32
      scf.for %parallel_loop3A_134 = %parallel_loop3A_106 to %parallel_loop3A_107 step %parallel_loop3A_108  : i32 {
        %parallel_loop3A_135 = arith.constant 0 : i32
        %parallel_loop3A_136 = tpu.memref_slice %arg6[%rem3A_81, %parallel_loop3A_109, %parallel_loop3A_135] : memref<2x2x12800xf32, #tpu.memory_space<vmem>> -> memref<1x1x12800xf32, #tpu.memory_space<vmem>>
        %parallel_loop3A_137 = tpu.memref_squeeze %parallel_loop3A_136 : memref<1x1x12800xf32, #tpu.memory_space<vmem>> -> memref<12800xf32, #tpu.memory_space<vmem>>
        %parallel_loop3A_138 = arith.index_cast %parallel_loop3A_134 : i32 to index
        %parallel_loop3A_139 = tpu.vector_load %parallel_loop3A_137[%parallel_loop3A_138] {strides = array<i32>} : memref<12800xf32, #tpu.memory_space<vmem>>, vector<16xf32>,
        %parallel_loop3A_140 = vector.shape_cast %parallel_loop3A_139 : vector<16xf32> to vector<16xf32>
        %parallel_loop3A_141 = arith.index_cast %parallel_loop3A_134 : i32 to index
        %parallel_loop3A_142 = tpu.vector_load %arg5[%parallel_loop3A_141] {strides = array<i32>} : memref<12800xf32, #tpu.memory_space<vmem>>, vector<16xf32>,
        %parallel_loop3A_143 = vector.shape_cast %parallel_loop3A_142 : vector<16xf32> to vector<16xf32>
        %parallel_loop3A_144 = arith.addf %parallel_loop3A_140, %parallel_loop3A_143 : vector<16xf32>
        %parallel_loop3A_145 = arith.constant 0 : i32
        %parallel_loop3A_146 = tpu.memref_slice %arg7[%rem3A_81, %parallel_loop3A_110, %parallel_loop3A_145] : memref<2x2x12800xf32, #tpu.memory_space<vmem>> -> memref<1x1x12800xf32, #tpu.memory_space<vmem>>
        %parallel_loop3A_147 = tpu.memref_squeeze %parallel_loop3A_146 : memref<1x1x12800xf32, #tpu.memory_space<vmem>> -> memref<12800xf32, #tpu.memory_space<vmem>>
        %parallel_loop3A_148 = arith.index_cast %parallel_loop3A_134 : i32 to index
        %parallel_loop3A_149 = tpu.vector_load %parallel_loop3A_147[%parallel_loop3A_148] {strides = array<i32>} : memref<12800xf32, #tpu.memory_space<vmem>>, vector<16xf32>,
        %parallel_loop3A_150 = vector.shape_cast %parallel_loop3A_149 : vector<16xf32> to vector<16xf32>
        %parallel_loop3A_151 = vector.shape_cast %parallel_loop3A_144 : vector<16xf32> to vector<16xf32>
        tpu.vector_store %parallel_loop3A_147[%parallel_loop3A_148], %parallel_loop3A_151 {strides = array<i32>} : memref<12800xf32, #tpu.memory_space<vmem>>, vector<16xf32>,
      } {sc.loop_unroll_factor = 8 : i64, sc.parallel_access}
      %mul3A_111 = arith.constant 2 : i32
      %mul3A_112 = arith.muli %scan3A_80, %mul3A_111 : i32
      %add3A_113 = arith.addi %mul3A_2, %mul3A_112 : i32
      %dma_start3A_114 = arith.constant 0 : i32
      %dma_start3A_115 = arith.constant 0 : i32
      %dma_start3A_116 = tpu.memref_slice %arg7[%rem3A_81, %dma_start3A_114, %dma_start3A_115] : memref<2x2x12800xf32, #tpu.memory_space<vmem>> -> memref<1x2x12800xf32, #tpu.memory_space<vmem>>
      %dma_start3A_117 = tpu.memref_squeeze %dma_start3A_116 : memref<1x2x12800xf32, #tpu.memory_space<vmem>> -> memref<2x12800xf32, #tpu.memory_space<vmem>>
      %dma_start3A_118 = arith.constant 0 : i32
      %dma_start3A_119 = tpu.memref_slice %arg4[%add3A_113, %dma_start3A_118] : memref<4096x12800xf32, #tpu.memory_space<hbm>> -> memref<2x12800xf32, #tpu.memory_space<hbm>>
      %dma_start3A_120 = tpu.memref_slice %arg9[%rem3A_81] : memref<2x!tpu.dma_semaphore, #tpu.memory_space<semaphore_mem>> -> memref<1x!tpu.dma_semaphore, #tpu.memory_space<semaphore_mem>>
      %dma_start3A_121 = tpu.memref_squeeze %dma_start3A_120 : memref<1x!tpu.dma_semaphore, #tpu.memory_space<semaphore_mem>> -> memref<!tpu.dma_semaphore, #tpu.memory_space<semaphore_mem>>
      %dma_start3A_122 = arith.constant 0 : i32
      %dma_start3A_123 = tpu.memref_slice %arg4[%add3A_113, %dma_start3A_122] : memref<4096x12800xf32, #tpu.memory_space<hbm>> -> memref<2x12800xf32, #tpu.memory_space<hbm>>
      %dma_start3A_124 = arith.constant 0 : i32
      %dma_start3A_125 = arith.constant 0 : i32
      %dma_start3A_126 = tpu.memref_slice %arg7[%rem3A_81, %dma_start3A_124, %dma_start3A_125] : memref<2x2x12800xf32, #tpu.memory_space<vmem>> -> memref<1x2x12800xf32, #tpu.memory_space<vmem>>
      %dma_start3A_127 = tpu.memref_squeeze %dma_start3A_126 : memref<1x2x12800xf32, #tpu.memory_space<vmem>> -> memref<2x12800xf32, #tpu.memory_space<vmem>>
      tpu.enqueue_dma source(%dma_start3A_127 : memref<2x12800xf32, #tpu.memory_space<vmem>>) target(%dma_start3A_123 : memref<2x12800xf32, #tpu.memory_space<hbm>>) target_semaphore(%dma_start3A_121 : memref<!tpu.dma_semaphore, #tpu.memory_space<semaphore_mem>>)
      %add3A_128 = arith.constant 2 : i32
      %add3A_129 = arith.addi %scan3A_80, %add3A_128 : i32
      %lt3A = arith.constant 64 : i32
      %lt3A_130 = arith.cmpi slt, %add3A_129, %lt3A : i32
      %convert_element_type3A_131 = arith.extui %lt3A_130 : i1 to i32
      %cond3A_132 = arith.constant 0 : i32
      %cond3A_133 = arith.cmpi ne, %convert_element_type3A_131, %cond3A_132 : i32
      scf.if %cond3A_133 {
        %add3A_134 = arith.constant 2 : i32
        %add3A_135 = arith.addi %scan3A_80, %add3A_134 : i32
        %mul3A_136 = arith.constant 2 : i32
        %mul3A_137 = arith.muli %add3A_135, %mul3A_136 : i32
        %add3A_138 = arith.addi %mul3A_2, %mul3A_137 : i32
        %dma_start3A_139 = arith.constant 0 : i32
        %dma_start3A_140 = arith.constant 0 : i32
        %dma_start3A_141 = tpu.memref_slice %arg6[%rem3A_81, %dma_start3A_139, %dma_start3A_140] : memref<2x2x12800xf32, #tpu.memory_space<vmem>> -> memref<1x2x12800xf32, #tpu.memory_space<vmem>>
        %dma_start3A_142 = tpu.memref_squeeze %dma_start3A_141 : memref<1x2x12800xf32, #tpu.memory_space<vmem>> -> memref<2x12800xf32, #tpu.memory_space<vmem>>
        %dma_start3A_143 = arith.constant 0 : i32
        %dma_start3A_144 = tpu.memref_slice %arg2[%add3A_138, %dma_start3A_143] : memref<4096x12800xf32, #tpu.memory_space<hbm>> -> memref<2x12800xf32, #tpu.memory_space<hbm>>
        %dma_start3A_145 = tpu.memref_slice %arg8[%rem3A_81] : memref<2x!tpu.dma_semaphore, #tpu.memory_space<semaphore_mem>> -> memref<1x!tpu.dma_semaphore, #tpu.memory_space<semaphore_mem>>
        %dma_start3A_146 = tpu.memref_squeeze %dma_start3A_145 : memref<1x!tpu.dma_semaphore, #tpu.memory_space<semaphore_mem>> -> memref<!tpu.dma_semaphore, #tpu.memory_space<semaphore_mem>>
        %dma_start3A_147 = arith.constant 0 : i32
        %dma_start3A_148 = arith.constant 0 : i32
        %dma_start3A_149 = tpu.memref_slice %arg6[%rem3A_81, %dma_start3A_147, %dma_start3A_148] : memref<2x2x12800xf32, #tpu.memory_space<vmem>> -> memref<1x2x12800xf32, #tpu.memory_space<vmem>>
        %dma_start3A_150 = tpu.memref_squeeze %dma_start3A_149 : memref<1x2x12800xf32, #tpu.memory_space<vmem>> -> memref<2x12800xf32, #tpu.memory_space<vmem>>
        %dma_start3A_151 = arith.constant 0 : i32
        %dma_start3A_152 = tpu.memref_slice %arg2[%add3A_138, %dma_start3A_151] : memref<4096x12800xf32, #tpu.memory_space<hbm>> -> memref<2x12800xf32, #tpu.memory_space<hbm>>
        tpu.enqueue_dma source(%dma_start3A_152 : memref<2x12800xf32, #tpu.memory_space<hbm>>) target(%dma_start3A_150 : memref<2x12800xf32, #tpu.memory_space<vmem>>) target_semaphore(%dma_start3A_146 : memref<!tpu.dma_semaphore, #tpu.memory_space<semaphore_mem>>)
      } else {
      }
    }
    %scan3A_44 = arith.constant 64 : i32
    %add3A_45 = arith.constant 124 : i32
    %add3A_46 = arith.addi %mul3A_2, %add3A_45 : i32
    %dma_wait3A = arith.constant 0 : i32
    %dma_wait3A_47 = arith.constant 0 : i32
    %dma_wait3A_48 = arith.constant 0 : i32
    %dma_wait3A_49 = arith.constant 0 : i32
    %dma_wait3A_50 = tpu.memref_slice %arg7[%dma_wait3A, %dma_wait3A_48, %dma_wait3A_49] : memref<2x2x12800xf32, #tpu.memory_space<vmem>> -> memref<1x2x12800xf32, #tpu.memory_space<vmem>>
    %dma_wait3A_51 = tpu.memref_squeeze %dma_wait3A_50 : memref<1x2x12800xf32, #tpu.memory_space<vmem>> -> memref<2x12800xf32, #tpu.memory_space<vmem>>
    %dma_wait3A_52 = arith.constant 0 : i32
    %dma_wait3A_53 = tpu.memref_slice %arg4[%add3A_46, %dma_wait3A_52] : memref<4096x12800xf32, #tpu.memory_space<hbm>> -> memref<2x12800xf32, #tpu.memory_space<hbm>>
    %dma_wait3A_54 = tpu.memref_slice %arg9[%dma_wait3A_47] : memref<2x!tpu.dma_semaphore, #tpu.memory_space<semaphore_mem>> -> memref<1x!tpu.dma_semaphore, #tpu.memory_space<semaphore_mem>>
    %dma_wait3A_55 = tpu.memref_squeeze %dma_wait3A_54 : memref<1x!tpu.dma_semaphore, #tpu.memory_space<semaphore_mem>> -> memref<!tpu.dma_semaphore, #tpu.memory_space<semaphore_mem>>
    %dma_wait3A_56 = arith.constant 0 : i32
    %dma_wait3A_57 = tpu.memref_slice %arg4[%add3A_46, %dma_wait3A_56] : memref<4096x12800xf32, #tpu.memory_space<hbm>> -> memref<2x12800xf32, #tpu.memory_space<hbm>>
    %dma_wait3A_58 = arith.constant 0 : i32
    %dma_wait3A_59 = arith.constant 0 : i32
    %dma_wait3A_60 = tpu.memref_slice %arg7[%dma_wait3A, %dma_wait3A_58, %dma_wait3A_59] : memref<2x2x12800xf32, #tpu.memory_space<vmem>> -> memref<1x2x12800xf32, #tpu.memory_space<vmem>>
    %dma_wait3A_61 = tpu.memref_squeeze %dma_wait3A_60 : memref<1x2x12800xf32, #tpu.memory_space<vmem>> -> memref<2x12800xf32, #tpu.memory_space<vmem>>
    tpu.wait_dma2 semaphore(%dma_wait3A_55 : memref<!tpu.dma_semaphore, #tpu.memory_space<semaphore_mem>>) src(%dma_wait3A_61 : memref<2x12800xf32, #tpu.memory_space<vmem>>) dst(%dma_wait3A_57 : memref<2x12800xf32, #tpu.memory_space<hbm>>)
    %add3A_62 = arith.constant 126 : i32
    %add3A_63 = arith.addi %mul3A_2, %add3A_62 : i32
    %dma_wait3A_64 = arith.constant 1 : i32
    %dma_wait3A_65 = arith.constant 1 : i32
    %dma_wait3A_66 = arith.constant 0 : i32
    %dma_wait3A_67 = arith.constant 0 : i32
    %dma_wait3A_68 = tpu.memref_slice %arg7[%dma_wait3A_64, %dma_wait3A_66, %dma_wait3A_67] : memref<2x2x12800xf32, #tpu.memory_space<vmem>> -> memref<1x2x12800xf32, #tpu.memory_space<vmem>>
    %dma_wait3A_69 = tpu.memref_squeeze %dma_wait3A_68 : memref<1x2x12800xf32, #tpu.memory_space<vmem>> -> memref<2x12800xf32, #tpu.memory_space<vmem>>
    %dma_wait3A_70 = arith.constant 0 : i32
    %dma_wait3A_71 = tpu.memref_slice %arg4[%add3A_63, %dma_wait3A_70] : memref<4096x12800xf32, #tpu.memory_space<hbm>> -> memref<2x12800xf32, #tpu.memory_space<hbm>>
    %dma_wait3A_72 = tpu.memref_slice %arg9[%dma_wait3A_65] : memref<2x!tpu.dma_semaphore, #tpu.memory_space<semaphore_mem>> -> memref<1x!tpu.dma_semaphore, #tpu.memory_space<semaphore_mem>>
    %dma_wait3A_73 = tpu.memref_squeeze %dma_wait3A_72 : memref<1x!tpu.dma_semaphore, #tpu.memory_space<semaphore_mem>> -> memref<!tpu.dma_semaphore, #tpu.memory_space<semaphore_mem>>
    %dma_wait3A_74 = arith.constant 0 : i32
    %dma_wait3A_75 = tpu.memref_slice %arg4[%add3A_63, %dma_wait3A_74] : memref<4096x12800xf32, #tpu.memory_space<hbm>> -> memref<2x12800xf32, #tpu.memory_space<hbm>>
    %dma_wait3A_76 = arith.constant 0 : i32
    %dma_wait3A_77 = arith.constant 0 : i32
    %dma_wait3A_78 = tpu.memref_slice %arg7[%dma_wait3A_64, %dma_wait3A_76, %dma_wait3A_77] : memref<2x2x12800xf32, #tpu.memory_space<vmem>> -> memref<1x2x12800xf32, #tpu.memory_space<vmem>>
    %dma_wait3A_79 = tpu.memref_squeeze %dma_wait3A_78 : memref<1x2x12800xf32, #tpu.memory_space<vmem>> -> memref<2x12800xf32, #tpu.memory_space<vmem>>
    tpu.wait_dma2 semaphore(%dma_wait3A_73 : memref<!tpu.dma_semaphore, #tpu.memory_space<semaphore_mem>>) src(%dma_wait3A_79 : memref<2x12800xf32, #tpu.memory_space<vmem>>) dst(%dma_wait3A_75 : memref<2x12800xf32, #tpu.memory_space<hbm>>)
    return
  }
}

</mosaic_0001>

<sc_bundles>
// kernel: kernel.3.cloned.1.call-start
scs
__scs_entry_jumppad:
0x0: {  	(pc) =	sbr.rel $0x88, $3  }
0x1: {  	(tag) =	ssettag $0x0;
	lr =	simm.s32 $0x1  }
0x2: {  	[smem:$0x3F9F] =	sst lr;
	_ =	strace $0xD0000000  }
0x3: {  	_ = 	snop  }
0x4: {  	_ = 	snop  }
0x5: {  	_ = 	snop  }
0x6: {  	_ = 	snop  }
0x7: {  	_ = 	snop  }
__scs_overlays_trampoline_lowered:
0x8: {  	[smem:$0x3FAE] =	sst s0  }
0x9: {  	[smem:$0x3FAF] =	sst s1  }
0xa: {  	[smem:$0x3FB0] =	sst s2  }
0xb: {  	[smem:$0x3FB1] =	sst s3  }
0xc: {  	[smem:$0x3FB2] =	sst s4  }
0xd: {  	[smem:$0x3FB3] =	sst s5  }
0xe: {  	[smem:$0x3FB4] =	sst s6  }
0xf: {  	[smem:$0x3FB5] =	sst s7  }
0x10: {  	[smem:$0x3FB6] =	sst s8  }
0x11: {  	[smem:$0x3FB7] =	sst s9;
	s0 =	simm.s32 @!p0 $0x0  }
0x12: {  	s1 =	sld [smem:$0x3F9D];
	s0 =	simm.s32 @p0 $0x1  }
0x13: {  	[smem:$0x3FB8] =	sst s0;
	s0 =	simm.s32 @!p1 $0x0  }
0x14: {  	s2 =	sld [smem:$0x3F9C];
	s0 =	simm.s32 @p1 $0x1  }
0x15: {  	[smem:$0x3FB9] =	sst s0;
	s0 =	simm.s32 @!p2 $0x0  }
0x16: {  	s3 =	sld [smem:$0x3FDB];
	s0 =	simm.s32 @p2 $0x1  }
0x17: {  	s4 =	simm.s32 $0x1BF5;
	[smem:$0x3FBB] =	sst s0  }
0x18: {  	s0 =	sld [smem:$0x3F9E];
	_ =	swait.ge [sflag:s4], $0x0  }
0x19: {  	s7 =	sld [smem:$0x3F9F]  }
0x1a: {  	s8 =	sadd.s32 $0xFFFFE003, lr  }
0x1b: {  	s9 =	sadd.s32 $0xFFFFFEF7, lr;
	s5 =	simm.s32 $0xFFFFFFFF;
	p2 =	slt.u32 s8, $0xFFFFF086  }
0x1c: {  	p1 =	slt.u32 s9, $0xF7A;
	s5 =	simm.s32 @!p2 $0x0  }
0x1d: {  	s5 =	simm.s32 @p1 $0x1;
	p0 =	seq.s32 s7, s2  }
0x1e: {  	s7 =	smul.u32 @!p0 $0xF7A, s2;
	p2 =	seq.s32 @!p0 s5, $0x0  }
0x1f: {  	s9 =	smul.u32 $0xF7A, s1;
	s8 =	simm.s32 @!p0 $0x1BF5;
	p2 =	por !p2, p0  }
0x20: {  	[sflag:s8] =	ssyncset.s32 @!p0 $0xFFFFF086;
	s6 =	sadd.s32 @!p0 s3, s7;
	s7 =	simm.s32 @!p0 $0x108  }
0x21: {  	s3 =	sadd.s32 s3, s9;
	s6 =	sadd.s32 @!p0 $0x88, s6;
	s7 =	simm.s32 @p2 $0x1082  }
0x22: {  	[simem:s7], [sflag:s8] =	dma.local @!p0 [hbm:s6], $0xF7A  }
0x23: {  	s9 =	sor.u32 $0xD0000000, s2;
	s6 =	simm.s32 $0x108;
	_ =	swait.ge @!p0 [sflag:s8], $0x0  }
0x24: {  	s3 =	sadd.s32 $0x88, s3;
	s6 =	simm.s32 @!p1 $0x1082;
	[sflag:s4] =	ssyncset.s32 $0xFFFFF086  }
0x25: {  	[simem:s6], [sflag:s4] =	dma.local [hbm:s3], $0xF7A  }
0x26: {  	[smem:$0x3F9F] =	sst s1;
	(tag) =	ssettag s2;
	_ =	strace s9  }
0x27: {  	s1 =	sld [smem:$0x3FAF]  }
0x28: {  	s2 =	sld [smem:$0x3FB0]  }
0x29: {  	s4 =	sld [smem:$0x3FB2]  }
0x2a: {  	p0 =	seq.s32 s5, $0x0;
	s5 =	sld [smem:$0x3FB3]  }
0x2b: {  	s6 =	sld [smem:$0x3FB4]  }
0x2c: {  	s7 =	sld [smem:$0x3FB5]  }
0x2d: {  	s3 =	simm.s32 $0x108;
	s8 =	sld [smem:$0x3FB6]  }
0x2e: {  	s3 =	simm.s32 @!p0 $0x1082;
	s9 =	sld [smem:$0x3FB7]  }
0x2f: {  	lr =	sadd.s32 s0, s3;
	s0 =	sld [smem:$0x3FAE]  }
0x30: {  	s3 =	sld [smem:$0x3FB1]  }
0x31: {  	[smem:$0x3FBA] =	sst s10  }
0x32: {  	s10 =	sld [smem:$0x3FB8];
	_ =	sdelay $0x3  }
0x33: {  	p0 =	seq.s32 s10, $0x1;
	s10 =	sld [smem:$0x3FBA];
	_ =	sdelay $0x3  }
0x34: {  	[smem:$0x3FBA] =	sst s10  }
0x35: {  	s10 =	sld [smem:$0x3FB9];
	_ =	sdelay $0x3  }
0x36: {  	p1 =	seq.s32 s10, $0x1;
	s10 =	sld [smem:$0x3FBA];
	_ =	sdelay $0x3  }
0x37: {  	[smem:$0x3FBA] =	sst s10  }
0x38: {  	s10 =	sld [smem:$0x3FBB]  }
0x39: {  	_ = 	snop;
	(pc) =	sbr.ind lr, $3  }
0x3a: {  	_ = 	snop  }
0x3b: {  	_ = 	snop  }
0x3c: {  	p2 =	seq.s32 s10, $0x1;
	s10 =	sld [smem:$0x3FBA]  }
0x3d: {  	_ =	shalt  }
0x3e: {  	_ =	shalt  }
0x3f: {  	_ =	shalt  }
0x40: {  	_ =	shalt  }
0x41: {  	_ =	shalt  }
0x42: {  	_ =	shalt  }
0x43: {  	_ =	shalt  }
0x44: {  	_ =	shalt  }
0x45: {  	_ =	shalt  }
0x46: {  	_ =	shalt  }
0x47: {  	_ =	shalt  }
0x48: {  	_ =	shalt  }
0x49: {  	_ =	shalt  }
0x4a: {  	_ =	shalt  }
0x4b: {  	_ =	shalt  }
0x4c: {  	_ =	shalt  }
0x4d: {  	_ =	shalt  }
0x4e: {  	_ =	shalt  }
0x4f: {  	_ =	shalt  }
0x50: {  	_ =	shalt  }
0x51: {  	_ =	shalt  }
0x52: {  	_ =	shalt  }
0x53: {  	_ =	shalt  }
0x54: {  	_ =	shalt  }
0x55: {  	_ =	shalt  }
0x56: {  	_ =	shalt  }
0x57: {  	_ =	shalt  }
0x58: {  	_ =	shalt  }
0x59: {  	_ =	shalt  }
0x5a: {  	_ =	shalt  }
0x5b: {  	_ =	shalt  }
0x5c: {  	_ =	shalt  }
0x5d: {  	_ =	shalt  }
0x5e: {  	_ =	shalt  }
0x5f: {  	_ =	shalt  }
0x60: {  	_ =	shalt  }
0x61: {  	_ =	shalt  }
0x62: {  	_ =	shalt  }
0x63: {  	_ =	shalt  }
0x64: {  	_ =	shalt  }
0x65: {  	_ =	shalt  }
0x66: {  	_ =	shalt  }
0x67: {  	_ =	shalt  }
0x68: {  	_ =	shalt  }
0x69: {  	_ =	shalt  }
0x6a: {  	_ =	shalt  }
0x6b: {  	_ =	shalt  }
0x6c: {  	_ =	shalt  }
0x6d: {  	_ =	shalt  }
0x6e: {  	_ =	shalt  }
0x6f: {  	_ =	shalt  }
0x70: {  	_ =	shalt  }
0x71: {  	_ =	shalt  }
0x72: {  	_ =	shalt  }
0x73: {  	_ =	shalt  }
0x74: {  	_ =	shalt  }
0x75: {  	_ =	shalt  }
0x76: {  	_ =	shalt  }
0x77: {  	_ =	shalt  }
0x78: {  	_ =	shalt  }
0x79: {  	_ =	shalt  }
0x7a: {  	_ =	shalt  }
0x7b: {  	_ =	shalt  }
0x7c: {  	_ =	shalt  }
0x7d: {  	_ =	shalt  }
0x7e: {  	_ =	shalt  }
0x7f: {  	_ =	shalt  }
0x80: {  	_ =	shalt  }
0x81: {  	_ =	shalt  }
0x82: {  	_ =	shalt  }
0x83: {  	_ =	shalt  }
0x84: {  	_ =	shalt  }
0x85: {  	_ =	shalt  }
0x86: {  	_ =	shalt  }
0x87: {  	_ =	shalt  }
.Lfunc_end0:
.L_simem_size_0:
called_computation_lowered:
.L_overlay_start_0:
0x88: {  	s2 =	sld [smem:$0x3FD9]  }
0x89: {  	s3 =	sld [smem:$0x3FFE];
	_ =	sdelay $0x1  }
0x8a: {  	s1 =	srdreg.scid  }
0x8b: {  	s0 =	sand.u32 $0x1, s1  }
0x8c: {  	s17 =	sshll.u32 s0, $0xA;
	s2 =	sadd.s32 s3, s2  }
0x8d: {  	s2 =	sadd.s32 s2, s17  }
0x8e: {  	[smem:$0x3FC6] =	sst s2  }
0x8f: {  	_ = 	snop  }
0x90: {  	s2 =	sld [smem:$0x3FD0];
	(tm) =	ssettm $0x1  }
0x91: {  	s18 =	sld [smem:$0x3FFB];
	_ =	sdelay $0x3  }
0x92: {  	_ =	strace s18  }
0x93: {  	s3 =	sld [smem:$0x3FFC];
	_ =	sdelay $0x3  }
0x94: {  	_ =	strace s3  }
0x95: {  	s3 =	sld [smem:$0x3FFD];
	_ =	sdelay $0x3  }
0x96: {  	_ =	strace s3  }
0x97: {  	_ =	strace $0x8FFFFFFF  }
0x98: {  	s19 =	sld [smem:$0x3FDB];
	_ =	sdelay $0x1  }
0x99: {  	s4 =	simm.s32 $_scs_section_size  }
0x9a: {  	s5 =	simm.s32 $_size__tile_overlayer_lowered;
	s6 =	simm.s32 $_tile_overlayer_lowered  }
0x9b: {  	s22 =	simm.s32 $0x1BFF;
	s21 =	sshll.u32 s6, $0x1;
	s3 =	sadd.s32 s4, s19  }
0x9c: {  	s7 =	simm.s32 $0x0;
	s20 =	sshll.u32 s5, $0x1;
	s5 =	sadd.s32 s21, s3  }
0x9d: {  	[timem:s7], [sflag:s22] =	dma.local [hbm:s5], s20  }
0x9e: {  	_ =	swait.ge [sflag:s22], s20  }
0x9f: {  	s4 =	ssub.s32 $0x0, s20;
	[sflag:s22] =	ssyncset.done $0x0  }
0xa0: {  	[sflag:s22] =	ssyncadd.s32 s4;
	_ =	sdelay $0x1  }
0xa1: {  	s23 =	simm.s32 $0x1B8B  }
0xa2: {  	_ =	swait.ge [sflag:s23], $0x1  }
0xa3: {  	[sflag:s23] =	ssyncset.done $0x0  }
0xa4: {  	s25 =	simm.s32 $0x1B8E;
	s24 =	sld [smem:$0x3FFE];
	[sflag:s23] =	ssyncadd.s32 $0xFFFFFFFF  }
0xa5: {  	s26 =	simm.s32 $execute0_lowered;
	[smem:$0x3FD2] =	sst s25  }
0xa6: {  	s5 =	sshll.u32 s26, $0x1;
	_ =	strace $0x80000046;
	[dreg:$0x1] =	wrdreg $0xFFFFFFFF  }
0xa7: {  	s28 =	simm.s32 $_size_execute0_lowered;
	s3 =	sadd.s32 s3, s5;
	[dreg:$0x0] =	wrdreg $0x0  }
0xa8: {  	s5 =	sshll.u32 s28, $0x1;
	[dreg:$0x2] =	wrdreg s3  }
0xa9: {  	[dreg:$0x3] =	wrdreg s5  }
0xaa: {  	[dreg:$0x4] =	wrdreg $0xC0  }
0xab: {  	_ =	task [dreg:s7], $0x5FFFF  }
0xac: {  	[dreg:$0x1] =	wrdreg $0xFFFFFFFF  }
0xad: {  	[dreg:$0x0] =	wrdreg $0x60  }
0xae: {  	[dreg:$0x2] =	wrdreg s2  }
0xaf: {  	[dreg:$0x3] =	wrdreg s24  }
0xb0: {  	[dreg:$0x4] =	wrdreg $0x9  }
0xb1: {  	_ =	task.clear_ibuf [dreg:s7], $0x5FFFF;
	_ =	strace $0x90000046  }
0xb2: {  	s29 =	simm.s32 $0x9;
	_ =	strace $0x80000048  }
0xb3: {  	_ =	swait.ge [sflag:s29], $0x1  }
0xb4: {  	[sflag:s29] =	ssyncadd.s32 $0xFFFFFFFF  }
0xb5: {  	_ =	strace $0x90000048  }
0xb6: {  	_ =	sfence  }
0xb7: {  	s30 =	sld [smem:$0x0];
	_ =	sdelay $0x2  }
0xb8: {  	s31 =	sshll.u32 s1, $0xD;
	s1 =	sshrl.u32 s1, $0x2  }
0xb9: {  	s3 =	sand.u32 $0x4000, s31;
	s1 =	sadd.s32 s1, s30  }
0xba: {  	s0 =	sor.u32 s3, s0;
	s1 =	sshll.u32 s1, $0x11  }
0xbb: {  	s0 =	sor.u32 s1, s0  }
0xbc: {  	s0 =	sadd.s32 $0x8F2B, s0  }
0xbd: {  	[sflag:s0] =	ssyncadd.remote.s32 $0x1  }
0xbe: {  	_ =	sfence.sel $0xFFFF  }
0xbf: {  	[dreg:$0x0] =	wrdreg $0xFFFFFFFF;
	(pc) =	sbr.abs _section_cstart, $3  }
0xc0: {  	[dreg:$0x1] =	wrdreg $0xFFFFFFFF  }
0xc1: {  	_ =	task.clear_ibuf [dreg:s7], $0x2FFFF;
	_ =	strace $0x9FFFFFFF  }
0xc2: {  	(tm) =	ssettm $0x7FFFFFFF  }
0xc3: {  	_ =	shalt  }
tec
execute0_lowered:
.L_overlay_start_1:
0x0: {  	(tag) =	ssettag $0x1  }
0x1: {  	s1 =	srdreg.scid  }
0x2: {  	s0 =	stileid.u32;
	s2 =	rddreg [dreg:$0x0]  }
0x3: {  	s7 =	rddreg [dreg:$0x1];
	s4 =	simm.s32 $0x0;
	s10 =	simm.s32 $0x5  }
0x4: {  	s11 =	simm.s32 $0x100;
	s12 =	simm.s32 $0x400;
	s5 =	sand.u32 $0x1, s1  }
0x5: {  	s13 =	simm.s32 $0x3200;
	s31 =	sshll.u32 s0, $0x8;
	s3 =	sshll.u32 s5, $0x7  }
0x6: {  	s14 =	simm.s32 $0x9600;
	s15 =	simm.s32 $0x3;
	s3 =	sor.u32 s3, s31  }
0x7: {  	s16 =	simm.s32 $0x4;
	s17 =	simm.s32 $0x0;
	s6 =	sshrl.u32 s3, $0x3  }
0x8: {  	[smem:$0x7FF] =	sst s4;
	s8 =	ssub.s32 $0x2, s5;
	s6 =	smul.u32 $0x3200, s6  }
0x9: {  	s1 =	rddreg [dreg:$0x2];
	_ =	strace $0x80000047;
	s9 =	sshrl.u32 s8, $0x1  }
0xa: {  	s5 =	sadd.s32 $0x400, s7;
	s9 =	ssub.s32 s8, s9;
	s6 =	sadd.s32 s2, s6  }
0xb: {  	s7 =	sadd.s32 $0xC00, s7;
	s9 =	smax.u32 s9, $0x1;
	s8 =	sadd.s32 $0x20, s6  }
.LBB2_1:
0xc: {  	[tilespmem:s4], [sflag:$0x5] =	stream.linear.gather [hbm4b:s5+s4], $0x3200, $0x38;
	[tilespmem:$0x1C200] =	vst v63  }
0xd: {  	_ =	swait.ge [sflag:s10], $0x3200  }
0xe: {  	[sflag:s10] =	ssyncset.done $0x0  }
0xf: {  	s18 =	simm.s32 $0x40;
	[sflag:s10] =	ssyncadd.s32 $0xFFFFCE00  }
0x10: {  	v2 =	vld [tilespmem:s18+$0x30]  }
0x11: {  	v4 =	vld [tilespmem:s18+$0xFFFFFFD0]  }
0x12: {  	v6 =	vld [tilespmem:s18+$0xFFFFFFE0]  }
0x13: {  	v3 =	vld [tilespmem:s18+$0xFFFFFFF0]  }
0x14: {  	v1 =	vld [tilespmem:s18+$0x0]  }
0x15: {  	v0 =	vld [tilespmem:s18+$0x10];
	v7 =	vmul.f32 $8.000000000e+00, v2  }
0x16: {  	v2 =	vld [tilespmem:s18+$0x20];
	v5 =	vmul.f32 $8.000000000e+00, v4  }
0x17: {  	s19 =	simm.s32 $0x0;
	s20 =	simm.s32 $0xC0;
	v4 =	vld [tilespmem:s18+$0xFFFFFFC0];
	v6 =	vmul.f32 $8.000000000e+00, v6;
	[tilespmem:s18+$0x30] =	vst v7  }
.LBB2_2:
0x18: {  	v7 =	vld [tilespmem:s20+$0x30];
	s19 =	sadd.s32 $0x80, s19;
	[tilespmem:s18+$0xFFFFFFD0] =	vst v5;
	v3 =	vmul.f32 $8.000000000e+00, v3  }
0x19: {  	v5 =	vld [tilespmem:s20+$0xFFFFFFD0];
	p0 =	slt.u32 s19, $0x3180;
	[tilespmem:s18+$0xFFFFFFE0] =	vst v6;
	v1 =	vmul.f32 $8.000000000e+00, v1  }
0x1a: {  	v6 =	vld [tilespmem:s20+$0xFFFFFFE0];
	[tilespmem:s18+$0xFFFFFFF0] =	vst v3;
	v0 =	vmul.f32 $8.000000000e+00, v0  }
.Ltmp0:
0x1b: {  	v3 =	vld [tilespmem:s20+$0xFFFFFFF0];
	[tilespmem:s18+$0x0] =	vst v1;
	v2 =	vmul.f32 $8.000000000e+00, v2;
	(pc) =	sbr.rel @p0 .LBB2_2-.Ltmp0, $4  }
0x1c: {  	v1 =	vld [tilespmem:s20+$0x0];
	v4 =	vmul.f32 $8.000000000e+00, v4;
	[tilespmem:s18+$0x10] =	vst v0  }
0x1d: {  	v0 =	vld [tilespmem:s20+$0x10];
	v7 =	vmul.f32 $8.000000000e+00, v7;
	[tilespmem:s18+$0x20] =	vst v2  }
0x1e: {  	v5 =	vmul.f32 $8.000000000e+00, v5;
	v2 =	vld [tilespmem:s20+$0x20];
	[tilespmem:s18+$0xFFFFFFC0] =	vst v4;
	s18 =	smov.u32 s20  }
0x1f: {  	s20 =	sadd.s32 $0x80, s20;
	v4 =	vld [tilespmem:s18+$0xFFFFFFC0];
	v6 =	vmul.f32 $8.000000000e+00, v6;
	[tilespmem:s18+$0x30] =	vst v7  }
0x20: {  	[tilespmem:s18+$0xFFFFFFD0] =	vst v5;
	v3 =	vmul.f32 $8.000000000e+00, v3  }
0x21: {  	[tilespmem:s18+$0xFFFFFFE0] =	vst v6;
	v1 =	vmul.f32 $8.000000000e+00, v1  }
0x22: {  	[tilespmem:s18+$0xFFFFFFF0] =	vst v3;
	v0 =	vmul.f32 $8.000000000e+00, v0  }
0x23: {  	[tilespmem:s18+$0x0] =	vst v1;
	v62 =	vmul.f32 $8.000000000e+00, v2  }
0x24: {  	v63 =	vmul.f32 $8.000000000e+00, v4;
	[tilespmem:s18+$0x10] =	vst v0  }
0x25: {  	[tilespmem:s18+$0x20] =	vst v62  }
0x26: {  	[tilespmem:s18+$0xFFFFFFC0] =	vst v63  }
0x27: {  	[tilespmem:s13], [sflag:$0x1] =	stream.strided.gather [hbm4b:s6+s11], $0x6400, s12, s11, $0x38;
	[tilespmem:$0x1C200] =	vst v63  }
0x28: {  	p0 =	por $0x0, $0x0;
	s18 =	simm.s32 $0x0  }
0x29: {  	[tilespmem:s14], [sflag:$0x2] =	stream.strided.gather [hbm4b:s8+s11], $0x6400, s12, s11, $0x38;
	[tilespmem:$0x1C200] =	vst v63  }
.LBB2_4:
0x2a: {  	s20 =	sand.u32 $0x1, s18  }
0x2b: {  	s19 =	sadd.s32 $0x1, s20  }
0x2c: {  	s21 =	simm.s32 $0x1;
	_ =	swait.ge [sflag:s19], $0x6400  }
0x2d: {  	p1 =	slt.u32 s18, $0x2;
	s21 =	simm.s32 @!p0 $0x0;
	[sflag:s19] =	ssyncset.done $0x0  }
0x2e: {  	s22 =	sadd.s32 @!p1 $0x3, s20;
	s21 =	smul.u32 $0x19000, s21;
	[sflag:s19] =	ssyncadd.s32 $0xFFFF9C00  }
0x2f: {  	_ =	swait.ge @!p1 [sflag:s22], $0x6400  }
0x30: {  	s24 =	sshrl.u32 s21, $0x2;
	[sflag:s22] =	ssyncset.done @!p1 $0x0  }
0x31: {  	s30 =	sadd.s32 $0x3240, s24;
	[sflag:s22] =	ssyncadd.s32 @!p1 $0xFFFF9C00  }
0x32: {  	s21 =	simm.s32 $0x40;
	v1 =	vld [tilespmem:s30+$0x30]  }
0x33: {  	v2 =	vld [tilespmem:s21+$0x30]  }
0x34: {  	v0 =	vld [tilespmem:s21+$0xFFFFFFC0]  }
0x35: {  	v3 =	vld [tilespmem:s30+$0xFFFFFFD0]  }
0x36: {  	v4 =	vld [tilespmem:s21+$0xFFFFFFD0]  }
0x37: {  	v5 =	vld [tilespmem:s30+$0xFFFFFFE0]  }
0x38: {  	v6 =	vld [tilespmem:s21+$0xFFFFFFE0]  }
0x39: {  	v7 =	vld [tilespmem:s30+$0xFFFFFFF0]  }
0x3a: {  	v8 =	vld [tilespmem:s21+$0xFFFFFFF0]  }
0x3b: {  	s26 =	sshll.u32 s18, $0x1;
	v9 =	vld [tilespmem:s30+$0x0]  }
0x3c: {  	s22 =	sadd.s32 s3, s26;
	v10 =	vld [tilespmem:s21+$0x0];
	v2 =	vadd.f32 v2, v1  }
0x3d: {  	s29 =	smul.u32 $0x6400, s20;
	s28 =	sadd.s32 $0xFA40, s24;
	s22 =	sshrl.u32 s22, $0x3;
	v3 =	vadd.f32 v4, v3;
	v1 =	vld [tilespmem:s30+$0x10]  }
0x3e: {  	s25 =	smul.u32 $0x19000, s22;
	s22 =	sshll.u32 s18, $0x8;
	v4 =	vadd.f32 v6, v5;
	[tilespmem:s28+$0x30] =	vst v2;
	v2 =	vld [tilespmem:s21+$0x10]  }
0x3f: {  	s23 =	sadd.s32 $0xFAF0, s24;
	s26 =	sadd.s32 $0x32F0, s24;
	s24 =	sand.u32 $0x300, s22;
	v6 =	vadd.f32 v8, v7;
	v5 =	vld [tilespmem:s21+$0x20];
	[tilespmem:s28+$0xFFFFFFD0] =	vst v3  }
0x40: {  	s31 =	simm.s32 $0x40;
	s22 =	sadd.s32 $0x3200, s29;
	s25 =	sor.u32 s24, s25;
	v3 =	vld [tilespmem:s30+$0x20];
	[tilespmem:s28+$0xFFFFFFE0] =	vst v4  }
0x41: {  	s24 =	sadd.s32 $0xFA00, s29;
	s29 =	simm.s32 $0x0;
	v4 =	vld [tilespmem:s30+$0xFFFFFFC0];
	[tilespmem:s28+$0xFFFFFFF0] =	vst v6;
	v6 =	vadd.f32 v10, v9;
	s30 =	sadd.s32 $0x100, s30  }
.LBB2_5:
0x42: {  	v7 =	vld [tilespmem:s30+$0x30];
	s31 =	sadd.s32 $0x80, s31  }
0x43: {  	s29 =	sadd.s32 $0x80, s29;
	v8 =	vld [tilespmem:s31+$0x30];
	[tilespmem:s28+$0x0] =	vst v6;
	v1 =	vadd.f32 v2, v1  }
0x44: {  	p1 =	slt.u32 s29, $0x3180;
	v2 =	vld [tilespmem:s31+$0xFFFFFFC0]  }
0x45: {  	v6 =	vld [tilespmem:s30+$0xFFFFFFD0];
	[tilespmem:s28+$0x10] =	vst v1;
	v1 =	vadd.f32 v5, v3  }
0x46: {  	v3 =	vld [tilespmem:s31+$0xFFFFFFD0];
	v9 =	vadd.f32 v0, v4  }
0x47: {  	v4 =	vld [tilespmem:s30+$0xFFFFFFE0];
	[tilespmem:s28+$0x20] =	vst v1  }
0x48: {  	v1 =	vld [tilespmem:s31+$0xFFFFFFE0];
	v5 =	vadd.f32 v8, v7;
	[tilespmem:s28+$0xFFFFFFC0] =	vst v9  }
0x49: {  	s28 =	sadd.s32 $0x100, s28;
	v7 =	vld [tilespmem:s30+$0xFFFFFFF0];
	v0 =	vmov v2  }
0x4a: {  	v8 =	vld [tilespmem:s31+$0xFFFFFFF0];
	[tilespmem:s28+$0x30] =	vst v5  }
0x4b: {  	v2 =	vadd.f32 v3, v6;
	v6 =	vld [tilespmem:s30+$0x0]  }
0x4c: {  	v9 =	vld [tilespmem:s31+$0x0]  }
.Ltmp1:
0x4d: {  	[tilespmem:s28+$0xFFFFFFD0] =	vst v2;
	v3 =	vadd.f32 v1, v4;
	v1 =	vld [tilespmem:s30+$0x10];
	(pc) =	sbr.rel @p1 .LBB2_5-.Ltmp1, $4  }
0x4e: {  	v2 =	vld [tilespmem:s31+$0x10]  }
0x4f: {  	[tilespmem:s28+$0xFFFFFFE0] =	vst v3;
	v7 =	vadd.f32 v8, v7;
	v3 =	vld [tilespmem:s30+$0x20]  }
0x50: {  	v5 =	vld [tilespmem:s31+$0x20]  }
0x51: {  	v4 =	vld [tilespmem:s30+$0xFFFFFFC0];
	[tilespmem:s28+$0xFFFFFFF0] =	vst v7;
	v6 =	vadd.f32 v9, v6;
	s30 =	sadd.s32 $0x100, s30  }
0x52: {  	_ =	sdelay $0x1  }
0x53: {  	v1 =	vadd.f32 v2, v1  }
0x54: {  	[tilespmem:s28+$0x0] =	vst v6;
	v2 =	vadd.f32 v5, v3  }
0x55: {  	[tilespmem:s28+$0x10] =	vst v1;
	v0 =	vadd.f32 v0, v4  }
0x56: {  	[tilespmem:s28+$0x20] =	vst v2  }
0x57: {  	[tilespmem:s28+$0xFFFFFFC0] =	vst v0  }
0x58: {  	v1 =	vld [tilespmem:s26+$0x0]  }
0x59: {  	v2 =	vld [tilespmem:s21+$0x30]  }
0x5a: {  	v0 =	vld [tilespmem:s21+$0xFFFFFFC0]  }
0x5b: {  	v3 =	vld [tilespmem:s26+$0xFFFFFFA0]  }
0x5c: {  	v4 =	vld [tilespmem:s21+$0xFFFFFFD0]  }
0x5d: {  	v5 =	vld [tilespmem:s26+$0xFFFFFFB0]  }
0x5e: {  	v6 =	vld [tilespmem:s21+$0xFFFFFFE0]  }
0x5f: {  	v7 =	vld [tilespmem:s26+$0xFFFFFFC0]  }
0x60: {  	v8 =	vld [tilespmem:s21+$0xFFFFFFF0]  }
0x61: {  	v9 =	vld [tilespmem:s26+$0xFFFFFFD0]  }
0x62: {  	v10 =	vld [tilespmem:s21+$0x0];
	v2 =	vadd.f32 v2, v1  }
0x63: {  	v4 =	vadd.f32 v4, v3;
	v1 =	vld [tilespmem:s26+$0xFFFFFFE0]  }
0x64: {  	v5 =	vadd.f32 v6, v5;
	v3 =	vld [tilespmem:s21+$0x10];
	[tilespmem:s23+$0x0] =	vst v2  }
0x65: {  	v6 =	vadd.f32 v8, v7;
	[tilespmem:s23+$0xFFFFFFA0] =	vst v4;
	v2 =	vld [tilespmem:s26+$0xFFFFFFF0]  }
0x66: {  	[tilespmem:s23+$0xFFFFFFB0] =	vst v5;
	v5 =	vld [tilespmem:s21+$0x20]  }
0x67: {  	s28 =	simm.s32 $0x0;
	v4 =	vld [tilespmem:s26+$0xFFFFFF90];
	[tilespmem:s23+$0xFFFFFFC0] =	vst v6;
	v6 =	vadd.f32 v10, v9;
	s26 =	sadd.s32 $0x100, s26  }
.LBB2_7:
0x68: {  	v7 =	vld [tilespmem:s26+$0x0];
	s21 =	sadd.s32 $0x80, s21  }
0x69: {  	s28 =	sadd.s32 $0x80, s28;
	v8 =	vld [tilespmem:s21+$0x30];
	[tilespmem:s23+$0xFFFFFFD0] =	vst v6;
	v1 =	vadd.f32 v3, v1  }
0x6a: {  	p1 =	slt.u32 s28, $0x3180;
	v3 =	vld [tilespmem:s21+$0xFFFFFFC0]  }
0x6b: {  	v6 =	vld [tilespmem:s26+$0xFFFFFFA0];
	[tilespmem:s23+$0xFFFFFFE0] =	vst v1;
	v1 =	vadd.f32 v5, v2  }
0x6c: {  	v2 =	vld [tilespmem:s21+$0xFFFFFFD0];
	v9 =	vadd.f32 v0, v4  }
0x6d: {  	v4 =	vld [tilespmem:s26+$0xFFFFFFB0];
	[tilespmem:s23+$0xFFFFFFF0] =	vst v1  }
0x6e: {  	v1 =	vld [tilespmem:s21+$0xFFFFFFE0];
	v5 =	vadd.f32 v8, v7;
	[tilespmem:s23+$0xFFFFFF90] =	vst v9  }
0x6f: {  	s23 =	sadd.s32 $0x100, s23;
	v7 =	vld [tilespmem:s26+$0xFFFFFFC0];
	v0 =	vmov v3  }
0x70: {  	v8 =	vld [tilespmem:s21+$0xFFFFFFF0];
	[tilespmem:s23+$0x0] =	vst v5  }
0x71: {  	v2 =	vadd.f32 v2, v6;
	v6 =	vld [tilespmem:s26+$0xFFFFFFD0]  }
0x72: {  	v9 =	vld [tilespmem:s21+$0x0]  }
.Ltmp2:
0x73: {  	[tilespmem:s23+$0xFFFFFFA0] =	vst v2;
	v2 =	vadd.f32 v1, v4;
	v1 =	vld [tilespmem:s26+$0xFFFFFFE0];
	(pc) =	sbr.rel @p1 .LBB2_7-.Ltmp2, $4  }
0x74: {  	v3 =	vld [tilespmem:s21+$0x10]  }
0x75: {  	[tilespmem:s23+$0xFFFFFFB0] =	vst v2;
	v7 =	vadd.f32 v8, v7;
	v2 =	vld [tilespmem:s26+$0xFFFFFFF0]  }
0x76: {  	v5 =	vld [tilespmem:s21+$0x20]  }
0x77: {  	v4 =	vld [tilespmem:s26+$0xFFFFFF90];
	[tilespmem:s23+$0xFFFFFFC0] =	vst v7;
	v6 =	vadd.f32 v9, v6;
	s26 =	sadd.s32 $0x100, s26  }
0x78: {  	_ =	sdelay $0x1  }
0x79: {  	v1 =	vadd.f32 v3, v1  }
0x7a: {  	[tilespmem:s23+$0xFFFFFFD0] =	vst v6;
	v2 =	vadd.f32 v5, v2  }
0x7b: {  	[tilespmem:s23+$0xFFFFFFE0] =	vst v1;
	v0 =	vadd.f32 v0, v4  }
0x7c: {  	s21 =	sshrl.u32 s25, $0x3;
	[tilespmem:s23+$0xFFFFFFF0] =	vst v2  }
0x7d: {  	s20 =	sadd.s32 $0x3, s20;
	p1 =	sgt.u32 s18, $0x3D;
	s21 =	sadd.s32 s7, s21;
	[tilespmem:s23+$0xFFFFFF90] =	vst v0  }
0x7e: {  	[hbm4b:s21+s11] =	stream.strided.scatter [tilespmem:s24], [sflag:s20], $0x6400, s12, s11, $0x38;
	[tilespmem:$0x1C200] =	vst v63  }
0x7f: {  	s20 =	sadd.s32 @!p1 $0x2, s18  }
0x80: {  	s21 =	sshll.u32 @!p1 s20, $0x1  }
0x81: {  	s21 =	sadd.s32 @!p1 s3, s21  }
0x82: {  	s21 =	sshrl.u32 @!p1 s21, $0x3  }
0x83: {  	s20 =	sshll.u32 @!p1 s20, $0x8;
	s21 =	smul.u32 @!p1 $0x19000, s21  }
0x84: {  	s20 =	sand.u32 @!p1 $0x300, s20  }
0x85: {  	s20 =	sor.u32 @!p1 s20, s21  }
0x86: {  	s23 =	simm.s32 @!p1 $0x400;
	s20 =	sshrl.u32 @!p1 s20, $0x3  }
0x87: {  	s18 =	sadd.s32 $0x1, s18;
	s21 =	simm.s32 @!p1 $0x100;
	s20 =	sadd.s32 @!p1 s2, s20  }
0x88: {  	[tilespmem:s22], [sflag:s19] =	stream.strided.gather @!p1 [hbm4b:s20+s21], $0x6400, s23, s21, $0x38;
	[tilespmem:$0x1C200] =	vst v63  }
0x89: {  	p1 =	sne.s32 s18, $0x40  }
.Ltmp3:
0x8a: {  	_ = 	snop;
	(pc) =	sbr.rel @p1 .LBB2_4-.Ltmp3, $2  }
0x8b: {  	_ =	sdelay $0x2  }
0x8c: {  	p0 =	por !p0, !p0  }
0x8d: {  	s17 =	sadd.s32 $0x1, s17  }
0x8e: {  	_ =	swait.ge [sflag:s15], $0x6400;
	p0 =	sne.s32 s17, s9  }
.Ltmp4:
0x8f: {  	[sflag:s15] =	ssyncset.done $0x0;
	(pc) =	sbr.rel @p0 .LBB2_1-.Ltmp4, $4  }
0x90: {  	[sflag:s15] =	ssyncadd.s32 $0xFFFF9C00  }
0x91: {  	_ =	swait.ge [sflag:s16], $0x6400  }
0x92: {  	[sflag:s16] =	ssyncset.done $0x0  }
0x93: {  	[sflag:s16] =	ssyncadd.s32 $0xFFFF9C00  }
0x94: {  	_ =	sfence.sel $0x180000  }
0x95: {  	[bflag:$0x0] =	sbarrier.arrive $0xFFFF  }
0x96: {  	p0 =	sne.s32 s0, $0x0;
	_ =	strace $0x90000047  }
0x97: {  	s0 =	sadd.s32 @!p0 $0x100000, s1;
	[bflag:$0x2] =	sbarrier.arrive $0xFFFF  }
0x98: {  	[sflag:s0] =	ssyncadd.tile.s32 @!p0 $0x1;
	_ =	shalt  }
.Lfunc_end2:
_tile_overlayer_lowered:
.L_overlay_start_2:
0x99: {  	(tag) =	ssettag $0x2  }
0x9a: {  	s0 =	rddreg [dreg:$0x0];
	s2 =	stileid.u32  }
0x9b: {  	s1 =	rddreg [dreg:$0x1];
	p0 =	sne.s32 s2, $0x0  }
0x9c: {  	s3 =	rddreg [dreg:$0x2];
	[bflag:$0x3] =	sbarrier.arrive $0xFFFF;
	s2 =	simm.s32 @!p0 $0x1C06  }
0x9d: {  	[timem:s3], [sflag:s2] =	dma.local @!p0 [hbm:s0], s1  }
0x9e: {  	s0 =	simm.s32 @!p0 $0x6  }
0x9f: {  	_ =	swait.ge @!p0 [sflag:s0], s1  }
0xa0: {  	s1 =	ssub.s32 @!p0 $0x0, s1;
	[sflag:s0] =	ssyncset.done @!p0 $0x0  }
0xa1: {  	[sflag:s0] =	ssyncadd.s32 @!p0 s1  }
0xa2: {  	[bflag:$0x3] =	sbarrier.arrive $0xFFFF  }
0xa3: {  	_ =	shalt  }

</sc_bundles>
